<compile_context>
chip_gen: v7x
topology: tpu7x:2x2x1
jax: 0.10.2.dev20260603
libtpu: 0.0.44.dev20260713+nightly
codegen_flags: <defaults>
</compile_context>

<pallas_src>
import jax
import jax.numpy as jnp
from jax import lax
from jax.experimental import pallas as pl
from jax.experimental.pallas import tpu as pltpu
from jax.experimental.pallas import tpu_sc as plsc

N = 10000
D = 128
E = 320000

NC = 2
NS = 16
NW = NC * NS
LANES = 16
NPT = 640
NP = NS * NPT
NB = NPT // LANES
EPW = E // NW
C = 128
NCHUNK = 80
EPW_PAD = NCHUNK * C
EPAD = EPW_PAD - EPW
KPC = C // LANES


def _mesh():
    return plsc.VectorSubcoreMesh(core_axis_name="c", subcore_axis_name="s")


def _zero_fill(ref):
    @pl.loop(0, NB)
    def _(b):
        ref[pl.ds(b * LANES, LANES)] = jnp.full((LANES,), 0.0, jnp.float32)



def _deg_body(dst_hbm, out_hbm, dst_v, ones_v, nodef_v, deg_sh,
              sem0, sem1):
    cid = lax.axis_index("c")
    sid = lax.axis_index("s")
    base = sid * NPT
    ebase = (cid * NS + sid) * EPW_PAD

    pltpu.sync_copy(dst_hbm.at[pl.ds(ebase, EPW_PAD)], dst_v)
    for b in range(C // LANES):
        ones_v[pl.ds(b * LANES, LANES)] = jnp.full((LANES,), 1.0, jnp.float32)
    _zero_fill(nodef_v)
    pltpu.sync_copy(nodef_v, deg_sh.at[pl.ds(base, NPT)])

    plsc.subcore_barrier()

    def dref(j):
        return deg_sh.at[dst_v.at[pl.ds(j * C, C)]]

    pltpu.async_copy(ones_v, dref(0), sem0, add=True)

    @pl.loop(0, NCHUNK // 2)
    def _(jj):
        j0 = 2 * jj
        j1 = j0 + 1

        @pl.when(jj > 0)
        def _():
            pltpu.make_async_copy(ones_v, dref(j1 - 2), sem1).wait()
        pltpu.async_copy(ones_v, dref(j1), sem1, add=True)

        @pl.when(jj < NCHUNK // 2 - 1)
        def _():
            pltpu.make_async_copy(ones_v, dref(j0), sem0).wait()
            pltpu.async_copy(ones_v, dref(j0 + 2), sem0, add=True)

    pltpu.make_async_copy(ones_v, dref(NCHUNK - 2), sem0).wait()
    pltpu.make_async_copy(ones_v, dref(NCHUNK - 1), sem1).wait()

    plsc.subcore_barrier()
    pltpu.sync_copy(deg_sh.at[pl.ds(base, NPT)],
                    out_hbm.at[pl.ds(cid * NP + base, NPT)])


@jax.jit
def _sc_deg(dstp):
    f = pl.kernel(
        _deg_body,
        out_type=jax.ShapeDtypeStruct((NC * NP,), jnp.float32),
        mesh=_mesh(),
        scratch_types=[
            pltpu.VMEM((EPW_PAD,), jnp.int32),
            pltpu.VMEM((C,), jnp.float32),
            pltpu.VMEM((NPT,), jnp.float32),
            pltpu.VMEM_SHARED((NP,), jnp.float32),
            pltpu.SemaphoreType.DMA,
            pltpu.SemaphoreType.DMA,
        ],
    )
    return f(dstp)



def _l1_body(src_hbm, dst_hbm, g1t_hbm, out_hbm,
             src_v, dst_v, msg_v, col_v,
             g1l0_v, g1l1_v, g1l2_v,
             s1c0_sh, s1c1_sh, s1c2_sh, sem0, sem1):
    g1l = [g1l0_v, g1l1_v, g1l2_v]
    s1c = [s1c0_sh, s1c1_sh, s1c2_sh]
    sems = [sem0, sem1]
    cid = lax.axis_index("c")
    sid = lax.axis_index("s")
    base = sid * NPT
    ebase = (cid * NS + sid) * EPW_PAD

    pltpu.sync_copy(src_hbm.at[pl.ds(ebase, EPW_PAD)], src_v)
    pltpu.sync_copy(dst_hbm.at[pl.ds(ebase, EPW_PAD)], dst_v)
    for c in range(3):
        pltpu.sync_copy(g1t_hbm.at[pl.ds(c * NP, NP)], g1l[c])

    @pl.when(cid == 0)
    def _():
        for c in range(3):
            pltpu.sync_copy(g1l[c].at[pl.ds(base, NPT)],
                            s1c[c].at[pl.ds(base, NPT)])

    @pl.when(cid != 0)
    def _():
        _zero_fill(col_v)
        for c in range(3):
            pltpu.sync_copy(col_v, s1c[c].at[pl.ds(base, NPT)])

    plsc.subcore_barrier()

    def build(j, p):
        for k in range(KPC):
            idx16 = src_v[pl.ds(j * C + k * LANES, LANES)]
            for c in range(3):
                msg_v[pl.ds((p * 3 + c) * C + k * LANES, LANES)] = (
                    plsc.load_gather(g1l[c], [idx16]))

    def mb(p, c):
        return msg_v.at[pl.ds((p * 3 + c) * C, C)]

    def sref(j, c):
        return s1c[c].at[dst_v.at[pl.ds(j * C, C)]]

    def sstart(j, p):
        for c in range(3):
            pltpu.async_copy(mb(p, c), sref(j, c), sems[p], add=True)

    def swait(j, p):
        for c in range(3):
            pltpu.make_async_copy(mb(p, c), sref(j, c), sems[p]).wait()

    build(0, 0)
    sstart(0, 0)

    @pl.loop(0, NCHUNK // 2)
    def _(jj):
        j0 = 2 * jj
        j1 = j0 + 1

        @pl.when(jj > 0)
        def _():
            swait(j1 - 2, 1)
        build(j1, 1)
        sstart(j1, 1)

        @pl.when(jj < NCHUNK // 2 - 1)
        def _():
            swait(j0, 0)
            build(j0 + 2, 0)
            sstart(j0 + 2, 0)

    swait(NCHUNK - 2, 0)
    swait(NCHUNK - 1, 1)

    plsc.subcore_barrier()
    for c in range(3):
        pltpu.sync_copy(
            s1c[c].at[pl.ds(base, NPT)],
            out_hbm.at[pl.ds(c * NC * NP + cid * NP + base, NPT)])


@jax.jit
def _sc_l1(srcp, dstp, g1t3):
    f = pl.kernel(
        _l1_body,
        out_type=jax.ShapeDtypeStruct((3 * NC * NP,), jnp.float32),
        mesh=_mesh(),
        compiler_params=pltpu.CompilerParams(needs_layout_passes=False),
        scratch_types=[
            pltpu.VMEM((EPW_PAD,), jnp.int32),
            pltpu.VMEM((EPW_PAD,), jnp.int32),
            pltpu.VMEM((2 * 3 * C,), jnp.float32),
            pltpu.VMEM((NPT,), jnp.float32),
            pltpu.VMEM((NP,), jnp.float32),
            pltpu.VMEM((NP,), jnp.float32),
            pltpu.VMEM((NP,), jnp.float32),
            pltpu.VMEM_SHARED((NP,), jnp.float32),
            pltpu.VMEM_SHARED((NP,), jnp.float32),
            pltpu.VMEM_SHARED((NP,), jnp.float32),
            pltpu.SemaphoreType.DMA,
            pltpu.SemaphoreType.DMA,
        ],
    )
    return f(srcp, dstp, g1t3)



def _l2_body(src_hbm, dst_hbm, s1_hbm, dinv_hbm, params_hbm, out_hbm,
             src_v, dst_v, msg_v, col_v, g2l_v, params_v, dinv_v,
             colsa_v, colsb_v, vec_v, g2st_hbm, s2_sh, sem0, sem1):
    sems = [sem0, sem1]
    cid = lax.axis_index("c")
    sid = lax.axis_index("s")
    base = sid * NPT
    ebase = (cid * NS + sid) * EPW_PAD

    pltpu.sync_copy(src_hbm.at[pl.ds(ebase, EPW_PAD)], src_v)
    pltpu.sync_copy(dst_hbm.at[pl.ds(ebase, EPW_PAD)], dst_v)
    pltpu.sync_copy(params_hbm, params_v)
    pltpu.sync_copy(dinv_hbm.at[pl.ds(base, NPT)], dinv_v)
    for c in range(3):
        pltpu.sync_copy(s1_hbm.at[pl.ds(c * NC * NP + base, NPT)],
                        colsa_v.at[pl.ds(c * NPT, NPT)])
        pltpu.sync_copy(s1_hbm.at[pl.ds(c * NC * NP + NP + base, NPT)],
                        colsb_v.at[pl.ds(c * NPT, NPT)])

    @pl.loop(0, NB)
    def _(b):
        bs = pl.ds(b * LANES, LANES)
        dinv16 = dinv_v[bs]
        h2 = jnp.full((LANES,), 0.0, jnp.float32)
        for c in range(3):
            cs = pl.ds(c * NPT + b * LANES, LANES)
            b1c = params_v[pl.ds(c * LANES, LANES)]
            w2c = params_v[pl.ds((3 + c) * LANES, LANES)]
            a1c = jnp.maximum(dinv16 * (colsa_v[cs] + colsb_v[cs]) + b1c, 0.0)
            h2 = h2 + a1c * w2c
        vec_v[bs] = dinv16 * h2

    pltpu.sync_copy(vec_v, g2st_hbm.at[pl.ds(cid * NP + base, NPT)])

    @pl.when(cid == 0)
    def _():
        pltpu.sync_copy(vec_v, s2_sh.at[pl.ds(base, NPT)])

    @pl.when(cid != 0)
    def _():
        _zero_fill(col_v)
        pltpu.sync_copy(col_v, s2_sh.at[pl.ds(base, NPT)])

    plsc.subcore_barrier()
    pltpu.sync_copy(g2st_hbm.at[pl.ds(cid * NP, NP)], g2l_v)

    def build(j, p):
        for k in range(KPC):
            idx16 = src_v[pl.ds(j * C + k * LANES, LANES)]
            msg_v[pl.ds(p * C + k * LANES, LANES)] = (
                plsc.load_gather(g2l_v, [idx16]))

    def mb(p):
        return msg_v.at[pl.ds(p * C, C)]

    def sref(j):
        return s2_sh.at[dst_v.at[pl.ds(j * C, C)]]

    build(0, 0)
    pltpu.async_copy(mb(0), sref(0), sem0, add=True)

    @pl.loop(0, NCHUNK // 2)
    def _(jj):
        j0 = 2 * jj
        j1 = j0 + 1

        @pl.when(jj > 0)
        def _():
            pltpu.make_async_copy(mb(1), sref(j1 - 2), sem1).wait()
        build(j1, 1)
        pltpu.async_copy(mb(1), sref(j1), sem1, add=True)

        @pl.when(jj < NCHUNK // 2 - 1)
        def _():
            pltpu.make_async_copy(mb(0), sref(j0), sem0).wait()
            build(j0 + 2, 0)
            pltpu.async_copy(mb(0), sref(j0 + 2), sem0, add=True)

    pltpu.make_async_copy(mb(0), sref(NCHUNK - 2), sem0).wait()
    pltpu.make_async_copy(mb(1), sref(NCHUNK - 1), sem1).wait()

    plsc.subcore_barrier()
    pltpu.sync_copy(s2_sh.at[pl.ds(base, NPT)],
                    out_hbm.at[pl.ds(cid * NP + base, NPT)])


@jax.jit
def _sc_l2(srcp, dstp, s1p, dinv, params):
    f = pl.kernel(
        _l2_body,
        out_type=jax.ShapeDtypeStruct((NC * NP,), jnp.float32),
        mesh=_mesh(),
        compiler_params=pltpu.CompilerParams(needs_layout_passes=False),
        scratch_types=[
            pltpu.VMEM((EPW_PAD,), jnp.int32),
            pltpu.VMEM((EPW_PAD,), jnp.int32),
            pltpu.VMEM((2 * C,), jnp.float32),
            pltpu.VMEM((NPT,), jnp.float32),
            pltpu.VMEM((NP,), jnp.float32),
            pltpu.VMEM((8 * LANES,), jnp.float32),
            pltpu.VMEM((NPT,), jnp.float32),
            pltpu.VMEM((3 * NPT,), jnp.float32),
            pltpu.VMEM((3 * NPT,), jnp.float32),
            pltpu.VMEM((NPT,), jnp.float32),
            pltpu.HBM((NC * NP,), jnp.float32),
            pltpu.VMEM_SHARED((NP,), jnp.float32),
            pltpu.SemaphoreType.DMA,
            pltpu.SemaphoreType.DMA,
        ],
    )
    return f(srcp, dstp, s1p, dinv, params)



def _tc1_body(x_ref, w_ref, da_ref, db_ref, g1t_ref, dinv_ref):
    h1 = jnp.dot(x_ref[...], w_ref[...], preferred_element_type=jnp.float32)
    deg = 1.0 + da_ref[...] + db_ref[...]
    dinv = lax.rsqrt(deg)
    g1t_ref[...] = h1.T * dinv
    dinv_ref[...] = dinv


@jax.jit
def _tc_prep(xp, W1, dega, degb):
    blk = 1024
    return pl.pallas_call(
        _tc1_body,
        grid=(NP // blk,),
        in_specs=[
            pl.BlockSpec((blk, D), lambda i: (i, 0)),
            pl.BlockSpec((D, 4), lambda i: (0, 0)),
            pl.BlockSpec((1, blk), lambda i: (0, i)),
            pl.BlockSpec((1, blk), lambda i: (0, i)),
        ],
        out_specs=[
            pl.BlockSpec((4, blk), lambda i: (0, i)),
            pl.BlockSpec((1, blk), lambda i: (0, i)),
        ],
        out_shape=[
            jax.ShapeDtypeStruct((4, NP), jnp.float32),
            jax.ShapeDtypeStruct((1, NP), jnp.float32),
        ],
    )(xp, W1, dega, degb)



def _tc3_body(sa_ref, sb_ref, dinv_ref, b2_ref, w3_ref, b3_ref, o_ref):
    out2 = dinv_ref[...] * (sa_ref[...] + sb_ref[...]) + b2_ref[0, 0]
    logits = jnp.dot(out2, w3_ref[...], preferred_element_type=jnp.float32)
    logits = logits + b3_ref[...]
    m = jnp.max(logits, axis=1, keepdims=True)
    e = jnp.exp(logits - m)
    lse = m + jnp.log(jnp.sum(e, axis=1, keepdims=True))
    o_ref[...] = logits - lse


@jax.jit
def _tc_head(s2a, s2b, dinv, b2, W3, b3):
    return pl.pallas_call(
        _tc3_body,
        out_shape=jax.ShapeDtypeStruct((N // 5, 2), jnp.float32),
    )(s2a, s2b, dinv, b2.reshape(1, 1), W3, b3.reshape(1, 2))


def kernel(x, edge_index, W1, b1, W2, b2, W3, b3):
    pad_rows = N + jnp.arange(EPAD, dtype=jnp.int32)
    src2 = edge_index[0].reshape(NW, EPW)
    dst2 = edge_index[1].reshape(NW, EPW)
    pad2 = jnp.broadcast_to(pad_rows, (NW, EPAD))
    srcp = jnp.concatenate([src2, pad2], axis=1).reshape(-1)
    dstp = jnp.concatenate([dst2, pad2], axis=1).reshape(-1)

    degp = _sc_deg(dstp)
    dega = degp[:NP].reshape(1, NP)
    degb = degp[NP:].reshape(1, NP)

    xp = jnp.pad(x, ((0, NP - N), (0, 0)))
    W1p = jnp.pad(W1, ((0, 0), (0, 1)))
    g1t, dinv = _tc_prep(xp, W1p, dega, degb)

    s1p = _sc_l1(srcp, dstp, g1t[:3].reshape(-1))

    params = jnp.concatenate(
        [jnp.repeat(b1, LANES), jnp.repeat(W2[:, 0], LANES),
         jnp.zeros((2 * LANES,), jnp.float32)])
    s2p = _sc_l2(srcp, dstp, s1p, dinv.reshape(-1), params)

    def hv(v):
        return v[:N].reshape(N // 5, 5)

    return _tc_head(hv(s2p[:NP]), hv(s2p[NP:]), hv(dinv.reshape(-1)),
                    b2, W3, b3)

# --- scband reference (transcript-rebuilt; emitter-appended) ---
"""Pipeline reference for scband-net-14336600834333 (READ-ONLY COPY).

The authoritative reference and input builder live on the scoring server;
editing this copy changes nothing except your own understanding.
"""

import jax, jax.numpy as jnp
import numpy as np

N = 10000
D = 128
E = 320000


def setup_inputs(seed: int = 0) -> dict:
    key = jax.random.key(seed)
    ks = jax.random.split(key, 8)
    x = jax.random.normal(ks[0], (N, D), dtype=jnp.float32)
    edge_index = jax.random.randint(ks[1], (2, E), 0, N, dtype=jnp.int32)
    W1 = jax.random.normal(ks[2], (D, 3), dtype=jnp.float32) * (1.0 / np.sqrt(D))
    b1 = jnp.zeros((3,), dtype=jnp.float32)
    W2 = jax.random.normal(ks[3], (3, 1), dtype=jnp.float32) * (1.0 / np.sqrt(3))
    b2 = jnp.zeros((1,), dtype=jnp.float32)
    W3 = jax.random.normal(ks[4], (5, 2), dtype=jnp.float32) * (1.0 / np.sqrt(5))
    b3 = jnp.zeros((2,), dtype=jnp.float32)
    return {"x": x, "edge_index": edge_index, "W1": W1, "b1": b1, "W2": W2, "b2": b2, "W3": W3, "b3": b3}


def _gcn_conv(x, edge_index, W, b):
    # PyG GCNConv: linear transform, add self loops, symmetric normalization, scatter-add, + bias
    n = x.shape[0]
    loop = jnp.arange(n, dtype=edge_index.dtype)
    src = jnp.concatenate([edge_index[0], loop])
    dst = jnp.concatenate([edge_index[1], loop])
    deg = jnp.zeros((n,), dtype=jnp.float32).at[dst].add(1.0)
    dinv = deg ** -0.5
    dinv = jnp.where(jnp.isinf(dinv), 0.0, dinv)
    norm = dinv[src] * dinv[dst]
    h = x @ W
    msg = h[src] * norm[:, None]
    out = jnp.zeros((n, h.shape[1]), dtype=h.dtype).at[dst].add(msg)
    return out + b


def reference(x, edge_index, W1, b1, W2, b2, W3, b3):
    h = _gcn_conv(x, edge_index, W1, b1)
    h = jax.nn.relu(h)
    # dropout p=0.2 is identity in eval mode
    h = _gcn_conv(h, edge_index, W2, b2)
    h = h.reshape(-1, 5)  # generalization of hardcoded (1, 5): batch of 5-node graph readouts
    logits = h @ W3 + b3
    return jax.nn.log_softmax(logits, axis=1)

if __name__ == "__main__":
    import jax
    _d = setup_inputs()
    print(jax.jit(kernel)(*tuple(_d.values())))

</pallas_src>

<mosaic_0001>
#map = affine_map<(d0, d1) -> (0)>
module attributes {stable_mosaic.version = 14 : i64} {
  func.func @_deg_body(%arg0: i32, %arg1: i32, %arg2: memref<327680xi32, #tpu.memory_space<hbm>>, %arg3: memref<20480xf32, #tpu.memory_space<hbm>>, %arg4: memref<10240xi32, #tpu.memory_space<vmem>>, %arg5: memref<128xf32, #tpu.memory_space<vmem>>, %arg6: memref<640xf32, #tpu.memory_space<vmem>>, %arg7: memref<10240xf32, #tpu.memory_space<vmem_shared>>, %arg8: memref<!tpu.dma_semaphore, #tpu.memory_space<semaphore_mem>>, %arg9: memref<!tpu.dma_semaphore, #tpu.memory_space<semaphore_mem>>) attributes {dimension_semantics = [#tpu.dimension_semantics<core_parallel>, #tpu.dimension_semantics<subcore_parallel>], iteration_bounds = array<i64: 2, 16>, scalar_prefetch = 0 : i64, scratch_operands = 6 : i64, tpu.core_type = #tpu.core_type<sc_vector_subcore>, window_params = [{transform_indices = #map}, {transform_indices = #map}]} {
    %mul3A = arith.constant 640 : i32
    %mul3A_0 = arith.muli %arg1, %mul3A : i32
    %mul3A_1 = arith.constant 16 : i32
    %mul3A_2 = arith.muli %arg0, %mul3A_1 : i32
    %add3A = arith.addi %mul3A_2, %arg1 : i32
    %mul3A_3 = arith.constant 10240 : i32
    %mul3A_4 = arith.muli %add3A, %mul3A_3 : i32
    "tpu.region"() ({
      %run_scoped3A = tpu.sem_alloc : memref<!tpu.dma_semaphore, #tpu.memory_space<semaphore_mem>>
      %dma_start3A_74 = tpu.memref_slice %arg2[%mul3A_4] : memref<327680xi32, #tpu.memory_space<hbm>> -> memref<10240xi32, #tpu.memory_space<hbm>>
      %dma_start3A_75 = tpu.memref_slice %arg2[%mul3A_4] : memref<327680xi32, #tpu.memory_space<hbm>> -> memref<10240xi32, #tpu.memory_space<hbm>>
      tpu.enqueue_dma source(%dma_start3A_75 : memref<10240xi32, #tpu.memory_space<hbm>>) target(%arg4 : memref<10240xi32, #tpu.memory_space<vmem>>) target_semaphore(%run_scoped3A : memref<!tpu.dma_semaphore, #tpu.memory_space<semaphore_mem>>)
      %dma_wait3A_76 = tpu.memref_slice %arg2[%mul3A_4] : memref<327680xi32, #tpu.memory_space<hbm>> -> memref<10240xi32, #tpu.memory_space<hbm>>
      %dma_wait3A_77 = tpu.memref_slice %arg2[%mul3A_4] : memref<327680xi32, #tpu.memory_space<hbm>> -> memref<10240xi32, #tpu.memory_space<hbm>>
      tpu.wait_dma2 semaphore(%run_scoped3A : memref<!tpu.dma_semaphore, #tpu.memory_space<semaphore_mem>>) src(%dma_wait3A_77 : memref<10240xi32, #tpu.memory_space<hbm>>) dst(%arg4 : memref<10240xi32, #tpu.memory_space<vmem>>)
      tpu.yield
    }) : () -> ()
    %broadcast_in_dim3A = arith.constant 1.000000e+00 : f32
    %broadcast_in_dim3A_5 = vector.broadcast %broadcast_in_dim3A : f32 to vector<16xf32>
    %swap3A = arith.constant 0 : index
    %swap3A_6 = tpu.vector_load %arg5[%swap3A] {strides = array<i32>} : memref<128xf32, #tpu.memory_space<vmem>>, vector<16xf32>,
    %swap3A_7 = vector.shape_cast %swap3A_6 : vector<16xf32> to vector<16xf32>
    %swap3A_8 = vector.shape_cast %broadcast_in_dim3A_5 : vector<16xf32> to vector<16xf32>
    tpu.vector_store %arg5[%swap3A], %swap3A_8 {strides = array<i32>} : memref<128xf32, #tpu.memory_space<vmem>>, vector<16xf32>,
    %broadcast_in_dim3A_9 = arith.constant 1.000000e+00 : f32
    %broadcast_in_dim3A_10 = vector.broadcast %broadcast_in_dim3A_9 : f32 to vector<16xf32>
    %swap3A_11 = arith.constant 16 : index
    %swap3A_12 = tpu.vector_load %arg5[%swap3A_11] {strides = array<i32>} : memref<128xf32, #tpu.memory_space<vmem>>, vector<16xf32>,
    %swap3A_13 = vector.shape_cast %swap3A_12 : vector<16xf32> to vector<16xf32>
    %swap3A_14 = vector.shape_cast %broadcast_in_dim3A_10 : vector<16xf32> to vector<16xf32>
    tpu.vector_store %arg5[%swap3A_11], %swap3A_14 {strides = array<i32>} : memref<128xf32, #tpu.memory_space<vmem>>, vector<16xf32>,
    %broadcast_in_dim3A_15 = arith.constant 1.000000e+00 : f32
    %broadcast_in_dim3A_16 = vector.broadcast %broadcast_in_dim3A_15 : f32 to vector<16xf32>
    %swap3A_17 = arith.constant 32 : index
    %swap3A_18 = tpu.vector_load %arg5[%swap3A_17] {strides = array<i32>} : memref<128xf32, #tpu.memory_space<vmem>>, vector<16xf32>,
    %swap3A_19 = vector.shape_cast %swap3A_18 : vector<16xf32> to vector<16xf32>
    %swap3A_20 = vector.shape_cast %broadcast_in_dim3A_16 : vector<16xf32> to vector<16xf32>
    tpu.vector_store %arg5[%swap3A_17], %swap3A_20 {strides = array<i32>} : memref<128xf32, #tpu.memory_space<vmem>>, vector<16xf32>,
    %broadcast_in_dim3A_21 = arith.constant 1.000000e+00 : f32
    %broadcast_in_dim3A_22 = vector.broadcast %broadcast_in_dim3A_21 : f32 to vector<16xf32>
    %swap3A_23 = arith.constant 48 : index
    %swap3A_24 = tpu.vector_load %arg5[%swap3A_23] {strides = array<i32>} : memref<128xf32, #tpu.memory_space<vmem>>, vector<16xf32>,
    %swap3A_25 = vector.shape_cast %swap3A_24 : vector<16xf32> to vector<16xf32>
    %swap3A_26 = vector.shape_cast %broadcast_in_dim3A_22 : vector<16xf32> to vector<16xf32>
    tpu.vector_store %arg5[%swap3A_23], %swap3A_26 {strides = array<i32>} : memref<128xf32, #tpu.memory_space<vmem>>, vector<16xf32>,
    %broadcast_in_dim3A_27 = arith.constant 1.000000e+00 : f32
    %broadcast_in_dim3A_28 = vector.broadcast %broadcast_in_dim3A_27 : f32 to vector<16xf32>
    %swap3A_29 = arith.constant 64 : index
    %swap3A_30 = tpu.vector_load %arg5[%swap3A_29] {strides = array<i32>} : memref<128xf32, #tpu.memory_space<vmem>>, vector<16xf32>,
    %swap3A_31 = vector.shape_cast %swap3A_30 : vector<16xf32> to vector<16xf32>
    %swap3A_32 = vector.shape_cast %broadcast_in_dim3A_28 : vector<16xf32> to vector<16xf32>
    tpu.vector_store %arg5[%swap3A_29], %swap3A_32 {strides = array<i32>} : memref<128xf32, #tpu.memory_space<vmem>>, vector<16xf32>,
    %broadcast_in_dim3A_33 = arith.constant 1.000000e+00 : f32
    %broadcast_in_dim3A_34 = vector.broadcast %broadcast_in_dim3A_33 : f32 to vector<16xf32>
    %swap3A_35 = arith.constant 80 : index
    %swap3A_36 = tpu.vector_load %arg5[%swap3A_35] {strides = array<i32>} : memref<128xf32, #tpu.memory_space<vmem>>, vector<16xf32>,
    %swap3A_37 = vector.shape_cast %swap3A_36 : vector<16xf32> to vector<16xf32>
    %swap3A_38 = vector.shape_cast %broadcast_in_dim3A_34 : vector<16xf32> to vector<16xf32>
    tpu.vector_store %arg5[%swap3A_35], %swap3A_38 {strides = array<i32>} : memref<128xf32, #tpu.memory_space<vmem>>, vector<16xf32>,
    %broadcast_in_dim3A_39 = arith.constant 1.000000e+00 : f32
    %broadcast_in_dim3A_40 = vector.broadcast %broadcast_in_dim3A_39 : f32 to vector<16xf32>
    %swap3A_41 = arith.constant 96 : index
    %swap3A_42 = tpu.vector_load %arg5[%swap3A_41] {strides = array<i32>} : memref<128xf32, #tpu.memory_space<vmem>>, vector<16xf32>,
    %swap3A_43 = vector.shape_cast %swap3A_42 : vector<16xf32> to vector<16xf32>
    %swap3A_44 = vector.shape_cast %broadcast_in_dim3A_40 : vector<16xf32> to vector<16xf32>
    tpu.vector_store %arg5[%swap3A_41], %swap3A_44 {strides = array<i32>} : memref<128xf32, #tpu.memory_space<vmem>>, vector<16xf32>,
    %broadcast_in_dim3A_45 = arith.constant 1.000000e+00 : f32
    %broadcast_in_dim3A_46 = vector.broadcast %broadcast_in_dim3A_45 : f32 to vector<16xf32>
    %swap3A_47 = arith.constant 112 : index
    %swap3A_48 = tpu.vector_load %arg5[%swap3A_47] {strides = array<i32>} : memref<128xf32, #tpu.memory_space<vmem>>, vector<16xf32>,
    %swap3A_49 = vector.shape_cast %swap3A_48 : vector<16xf32> to vector<16xf32>
    %swap3A_50 = vector.shape_cast %broadcast_in_dim3A_46 : vector<16xf32> to vector<16xf32>
    tpu.vector_store %arg5[%swap3A_47], %swap3A_50 {strides = array<i32>} : memref<128xf32, #tpu.memory_space<vmem>>, vector<16xf32>,
    %scan3A = arith.constant 0 : i32
    %scan3A_51 = arith.constant 40 : i32
    %scan3A_52 = arith.addi %scan3A, %scan3A_51 : i32
    %scan3A_53 = arith.constant 1 : i32
    scf.for %scan3A_74 = %scan3A to %scan3A_52 step %scan3A_53  : i32 {
      %mul3A_75 = arith.constant 1 : i32
      %mul3A_76 = arith.muli %scan3A_74, %mul3A_75 : i32
      %add3A_77 = arith.constant 0 : i32
      %add3A_78 = arith.addi %add3A_77, %mul3A_76 : i32
      %broadcast_in_dim3A_79 = arith.constant 0.000000e+00 : f32
      %broadcast_in_dim3A_80 = vector.broadcast %broadcast_in_dim3A_79 : f32 to vector<16xf32>
      %mul3A_81 = arith.constant 16 : i32
      %mul3A_82 = arith.muli %add3A_78, %mul3A_81 : i32
      %swap3A_83 = arith.index_cast %mul3A_82 : i32 to index
      %swap3A_84 = tpu.vector_load %arg6[%swap3A_83] {strides = array<i32>} : memref<640xf32, #tpu.memory_space<vmem>>, vector<16xf32>,
      %swap3A_85 = vector.shape_cast %swap3A_84 : vector<16xf32> to vector<16xf32>
      %swap3A_86 = vector.shape_cast %broadcast_in_dim3A_80 : vector<16xf32> to vector<16xf32>
      tpu.vector_store %arg6[%swap3A_83], %swap3A_86 {strides = array<i32>} : memref<640xf32, #tpu.memory_space<vmem>>, vector<16xf32>,
    }
    %scan3A_54 = arith.constant 40 : i32
    "tpu.region"() ({
      %run_scoped3A = tpu.sem_alloc : memref<!tpu.dma_semaphore, #tpu.memory_space<semaphore_mem>>
      %dma_start3A_74 = tpu.memref_slice %arg7[%mul3A_0] : memref<10240xf32, #tpu.memory_space<vmem_shared>> -> memref<640xf32, #tpu.memory_space<vmem_shared>>
      %dma_start3A_75 = tpu.memref_slice %arg7[%mul3A_0] : memref<10240xf32, #tpu.memory_space<vmem_shared>> -> memref<640xf32, #tpu.memory_space<vmem_shared>>
      tpu.enqueue_dma source(%arg6 : memref<640xf32, #tpu.memory_space<vmem>>) target(%dma_start3A_75 : memref<640xf32, #tpu.memory_space<vmem_shared>>) target_semaphore(%run_scoped3A : memref<!tpu.dma_semaphore, #tpu.memory_space<semaphore_mem>>)
      %dma_wait3A_76 = tpu.memref_slice %arg7[%mul3A_0] : memref<10240xf32, #tpu.memory_space<vmem_shared>> -> memref<640xf32, #tpu.memory_space<vmem_shared>>
      %dma_wait3A_77 = tpu.memref_slice %arg7[%mul3A_0] : memref<10240xf32, #tpu.memory_space<vmem_shared>> -> memref<640xf32, #tpu.memory_space<vmem_shared>>
      tpu.wait_dma2 semaphore(%run_scoped3A : memref<!tpu.dma_semaphore, #tpu.memory_space<semaphore_mem>>) src(%arg6 : memref<640xf32, #tpu.memory_space<vmem>>) dst(%dma_wait3A_77 : memref<640xf32, #tpu.memory_space<vmem_shared>>)
      tpu.yield
    }) : () -> ()
    %barrier3A = arith.constant 0 : index
    tpu.barrier barrier_id(%barrier3A)
    %dma_start3A = arith.constant 0 : i32
    %dma_start3A_55 = tpu.memref_slice %arg4[%dma_start3A] : memref<10240xi32, #tpu.memory_space<vmem>> -> memref<128xi32, #tpu.memory_space<vmem>>
    %dma_start3A_56 = arith.constant 0 : i32
    %dma_start3A_57 = tpu.memref_slice %arg7[%dma_start3A_56] : memref<10240xf32, #tpu.memory_space<vmem_shared>> -> memref<10240xf32, #tpu.memory_space<vmem_shared>>
    tpu.enqueue_indirect_dma source(%arg5 : memref<128xf32, #tpu.memory_space<vmem>>) target(%dma_start3A_57 : memref<10240xf32, #tpu.memory_space<vmem_shared>>) offsets(%dma_start3A_55 : memref<128xi32, #tpu.memory_space<vmem>>) semaphore(%arg8 : memref<!tpu.dma_semaphore, #tpu.memory_space<semaphore_mem>>) {add = true}
    %scan3A_58 = arith.constant 0 : i32
    %scan3A_59 = arith.constant 40 : i32
    %scan3A_60 = arith.addi %scan3A_58, %scan3A_59 : i32
    %scan3A_61 = arith.constant 1 : i32
    scf.for %scan3A_74 = %scan3A_58 to %scan3A_60 step %scan3A_61  : i32 {
      %mul3A_75 = arith.constant 1 : i32
      %mul3A_76 = arith.muli %scan3A_74, %mul3A_75 : i32
      %add3A_77 = arith.constant 0 : i32
      %add3A_78 = arith.addi %add3A_77, %mul3A_76 : i32
      %mul3A_79 = arith.constant 2 : i32
      %mul3A_80 = arith.muli %mul3A_79, %add3A_78 : i32
      %add3A_81 = arith.constant 1 : i32
      %add3A_82 = arith.addi %mul3A_80, %add3A_81 : i32
      %gt3A = arith.constant 0 : i32
      %gt3A_83 = arith.cmpi sgt, %add3A_78, %gt3A : i32
      %convert_element_type3A = arith.extui %gt3A_83 : i1 to i32
      %cond3A = arith.constant 0 : i32
      %cond3A_84 = arith.cmpi ne, %convert_element_type3A, %cond3A : i32
      scf.if %cond3A_84 {
        %sub3A = arith.constant 2 : i32
        %sub3A_94 = arith.subi %add3A_82, %sub3A : i32
        %mul3A_95 = arith.constant 128 : i32
        %mul3A_96 = arith.muli %sub3A_94, %mul3A_95 : i32
        %dma_wait3A_97 = tpu.memref_slice %arg4[%mul3A_96] : memref<10240xi32, #tpu.memory_space<vmem>> -> memref<128xi32, #tpu.memory_space<vmem>>
        %dma_wait3A_98 = arith.constant 0 : i32
        %dma_wait3A_99 = tpu.memref_slice %arg7[%dma_wait3A_98] : memref<10240xf32, #tpu.memory_space<vmem_shared>> -> memref<10240xf32, #tpu.memory_space<vmem_shared>>
        tpu.wait_indirect_dma semaphore(%arg9 : memref<!tpu.dma_semaphore, #tpu.memory_space<semaphore_mem>>) src(%arg5 : memref<128xf32, #tpu.memory_space<vmem>>) dst(%dma_wait3A_99 : memref<10240xf32, #tpu.memory_space<vmem_shared>>)
      } else {
      }
      %mul3A_85 = arith.constant 128 : i32
      %mul3A_86 = arith.muli %add3A_82, %mul3A_85 : i32
      %dma_start3A_87 = tpu.memref_slice %arg4[%mul3A_86] : memref<10240xi32, #tpu.memory_space<vmem>> -> memref<128xi32, #tpu.memory_space<vmem>>
      %dma_start3A_88 = arith.constant 0 : i32
      %dma_start3A_89 = tpu.memref_slice %arg7[%dma_start3A_88] : memref<10240xf32, #tpu.memory_space<vmem_shared>> -> memref<10240xf32, #tpu.memory_space<vmem_shared>>
      tpu.enqueue_indirect_dma source(%arg5 : memref<128xf32, #tpu.memory_space<vmem>>) target(%dma_start3A_89 : memref<10240xf32, #tpu.memory_space<vmem_shared>>) offsets(%dma_start3A_87 : memref<128xi32, #tpu.memory_space<vmem>>) semaphore(%arg9 : memref<!tpu.dma_semaphore, #tpu.memory_space<semaphore_mem>>) {add = true}
      %lt3A = arith.constant 39 : i32
      %lt3A_90 = arith.cmpi slt, %add3A_78, %lt3A : i32
      %convert_element_type3A_91 = arith.extui %lt3A_90 : i1 to i32
      %cond3A_92 = arith.constant 0 : i32
      %cond3A_93 = arith.cmpi ne, %convert_element_type3A_91, %cond3A_92 : i32
      scf.if %cond3A_93 {
        %mul3A_94 = arith.constant 128 : i32
        %mul3A_95 = arith.muli %mul3A_80, %mul3A_94 : i32
        %dma_wait3A_96 = tpu.memref_slice %arg4[%mul3A_95] : memref<10240xi32, #tpu.memory_space<vmem>> -> memref<128xi32, #tpu.memory_space<vmem>>
        %dma_wait3A_97 = arith.constant 0 : i32
        %dma_wait3A_98 = tpu.memref_slice %arg7[%dma_wait3A_97] : memref<10240xf32, #tpu.memory_space<vmem_shared>> -> memref<10240xf32, #tpu.memory_space<vmem_shared>>
        tpu.wait_indirect_dma semaphore(%arg8 : memref<!tpu.dma_semaphore, #tpu.memory_space<semaphore_mem>>) src(%arg5 : memref<128xf32, #tpu.memory_space<vmem>>) dst(%dma_wait3A_98 : memref<10240xf32, #tpu.memory_space<vmem_shared>>)
        %add3A_99 = arith.constant 2 : i32
        %add3A_100 = arith.addi %mul3A_80, %add3A_99 : i32
        %mul3A_101 = arith.constant 128 : i32
        %mul3A_102 = arith.muli %add3A_100, %mul3A_101 : i32
        %dma_start3A_103 = tpu.memref_slice %arg4[%mul3A_102] : memref<10240xi32, #tpu.memory_space<vmem>> -> memref<128xi32, #tpu.memory_space<vmem>>
        %dma_start3A_104 = arith.constant 0 : i32
        %dma_start3A_105 = tpu.memref_slice %arg7[%dma_start3A_104] : memref<10240xf32, #tpu.memory_space<vmem_shared>> -> memref<10240xf32, #tpu.memory_space<vmem_shared>>
        tpu.enqueue_indirect_dma source(%arg5 : memref<128xf32, #tpu.memory_space<vmem>>) target(%dma_start3A_105 : memref<10240xf32, #tpu.memory_space<vmem_shared>>) offsets(%dma_start3A_103 : memref<128xi32, #tpu.memory_space<vmem>>) semaphore(%arg8 : memref<!tpu.dma_semaphore, #tpu.memory_space<semaphore_mem>>) {add = true}
      } else {
      }
    }
    %scan3A_62 = arith.constant 40 : i32
    %dma_wait3A = arith.constant 9984 : i32
    %dma_wait3A_63 = tpu.memref_slice %arg4[%dma_wait3A] : memref<10240xi32, #tpu.memory_space<vmem>> -> memref<128xi32, #tpu.memory_space<vmem>>
    %dma_wait3A_64 = arith.constant 0 : i32
    %dma_wait3A_65 = tpu.memref_slice %arg7[%dma_wait3A_64] : memref<10240xf32, #tpu.memory_space<vmem_shared>> -> memref<10240xf32, #tpu.memory_space<vmem_shared>>
    tpu.wait_indirect_dma semaphore(%arg8 : memref<!tpu.dma_semaphore, #tpu.memory_space<semaphore_mem>>) src(%arg5 : memref<128xf32, #tpu.memory_space<vmem>>) dst(%dma_wait3A_65 : memref<10240xf32, #tpu.memory_space<vmem_shared>>)
    %dma_wait3A_66 = arith.constant 10112 : i32
    %dma_wait3A_67 = tpu.memref_slice %arg4[%dma_wait3A_66] : memref<10240xi32, #tpu.memory_space<vmem>> -> memref<128xi32, #tpu.memory_space<vmem>>
    %dma_wait3A_68 = arith.constant 0 : i32
    %dma_wait3A_69 = tpu.memref_slice %arg7[%dma_wait3A_68] : memref<10240xf32, #tpu.memory_space<vmem_shared>> -> memref<10240xf32, #tpu.memory_space<vmem_shared>>
    tpu.wait_indirect_dma semaphore(%arg9 : memref<!tpu.dma_semaphore, #tpu.memory_space<semaphore_mem>>) src(%arg5 : memref<128xf32, #tpu.memory_space<vmem>>) dst(%dma_wait3A_69 : memref<10240xf32, #tpu.memory_space<vmem_shared>>)
    %barrier3A_70 = arith.constant 0 : index
    tpu.barrier barrier_id(%barrier3A_70)
    %mul3A_71 = arith.constant 10240 : i32
    %mul3A_72 = arith.muli %arg0, %mul3A_71 : i32
    %add3A_73 = arith.addi %mul3A_72, %mul3A_0 : i32
    "tpu.region"() ({
      %run_scoped3A = tpu.sem_alloc : memref<!tpu.dma_semaphore, #tpu.memory_space<semaphore_mem>>
      %dma_start3A_74 = tpu.memref_slice %arg3[%add3A_73] : memref<20480xf32, #tpu.memory_space<hbm>> -> memref<640xf32, #tpu.memory_space<hbm>>
      %dma_start3A_75 = tpu.memref_slice %arg7[%mul3A_0] : memref<10240xf32, #tpu.memory_space<vmem_shared>> -> memref<640xf32, #tpu.memory_space<vmem_shared>>
      tpu.enqueue_dma source(%dma_start3A_75 : memref<640xf32, #tpu.memory_space<vmem_shared>>) target(%dma_start3A_74 : memref<640xf32, #tpu.memory_space<hbm>>) target_semaphore(%run_scoped3A : memref<!tpu.dma_semaphore, #tpu.memory_space<semaphore_mem>>)
      %dma_wait3A_76 = tpu.memref_slice %arg3[%add3A_73] : memref<20480xf32, #tpu.memory_space<hbm>> -> memref<640xf32, #tpu.memory_space<hbm>>
      %dma_wait3A_77 = tpu.memref_slice %arg7[%mul3A_0] : memref<10240xf32, #tpu.memory_space<vmem_shared>> -> memref<640xf32, #tpu.memory_space<vmem_shared>>
      tpu.wait_dma2 semaphore(%run_scoped3A : memref<!tpu.dma_semaphore, #tpu.memory_space<semaphore_mem>>) src(%dma_wait3A_77 : memref<640xf32, #tpu.memory_space<vmem_shared>>) dst(%dma_wait3A_76 : memref<640xf32, #tpu.memory_space<hbm>>)
      tpu.yield
    }) : () -> ()
    return
  }
}

</mosaic_0001>

<sc_bundles>
// kernel: _sc_deg.3.cloned.1.call-start
scs
__scs_entry_jumppad:
0x0: {  	(pc) =	sbr.rel $0x88, $3  }
0x1: {  	(tag) =	ssettag $0x0;
	lr =	simm.s32 $0x1  }
0x2: {  	[smem:$0x3FA0] =	sst lr;
	_ =	strace $0xD0000000  }
0x3: {  	_ = 	snop  }
0x4: {  	_ = 	snop  }
0x5: {  	_ = 	snop  }
0x6: {  	_ = 	snop  }
0x7: {  	_ = 	snop  }
__scs_overlays_trampoline_lowered:
0x8: {  	[smem:$0x3FAF] =	sst s0  }
0x9: {  	[smem:$0x3FB0] =	sst s1  }
0xa: {  	[smem:$0x3FB1] =	sst s2  }
0xb: {  	[smem:$0x3FB2] =	sst s3  }
0xc: {  	[smem:$0x3FB3] =	sst s4  }
0xd: {  	[smem:$0x3FB4] =	sst s5  }
0xe: {  	[smem:$0x3FB5] =	sst s6  }
0xf: {  	[smem:$0x3FB6] =	sst s7  }
0x10: {  	[smem:$0x3FB7] =	sst s8  }
0x11: {  	[smem:$0x3FB8] =	sst s9;
	s0 =	simm.s32 @!p0 $0x0  }
0x12: {  	s1 =	sld [smem:$0x3F9E];
	s0 =	simm.s32 @p0 $0x1  }
0x13: {  	[smem:$0x3FB9] =	sst s0;
	s0 =	simm.s32 @!p1 $0x0  }
0x14: {  	s2 =	sld [smem:$0x3F9D];
	s0 =	simm.s32 @p1 $0x1  }
0x15: {  	[smem:$0x3FBA] =	sst s0;
	s0 =	simm.s32 @!p2 $0x0  }
0x16: {  	s3 =	sld [smem:$0x3FDB];
	s0 =	simm.s32 @p2 $0x1  }
0x17: {  	s4 =	simm.s32 $0x1BF5;
	[smem:$0x3FBC] =	sst s0  }
0x18: {  	s0 =	sld [smem:$0x3F9F];
	_ =	swait.ge [sflag:s4], $0x0  }
0x19: {  	s7 =	sld [smem:$0x3FA0]  }
0x1a: {  	s8 =	sadd.s32 $0xFFFFE003, lr  }
0x1b: {  	s9 =	sadd.s32 $0xFFFFFEF7, lr;
	s5 =	simm.s32 $0xFFFFFFFF;
	p2 =	slt.u32 s8, $0xFFFFF086  }
0x1c: {  	p1 =	slt.u32 s9, $0xF7A;
	s5 =	simm.s32 @!p2 $0x0  }
0x1d: {  	s5 =	simm.s32 @p1 $0x1;
	p0 =	seq.s32 s7, s2  }
0x1e: {  	s7 =	smul.u32 @!p0 $0xF7A, s2;
	p2 =	seq.s32 @!p0 s5, $0x0  }
0x1f: {  	s9 =	smul.u32 $0xF7A, s1;
	s8 =	simm.s32 @!p0 $0x1BF5;
	p2 =	por !p2, p0  }
0x20: {  	[sflag:s8] =	ssyncset.s32 @!p0 $0xFFFFF086;
	s6 =	sadd.s32 @!p0 s3, s7;
	s7 =	simm.s32 @!p0 $0x108  }
0x21: {  	s3 =	sadd.s32 s3, s9;
	s6 =	sadd.s32 @!p0 $0x88, s6;
	s7 =	simm.s32 @p2 $0x1082  }
0x22: {  	[simem:s7], [sflag:s8] =	dma.local @!p0 [hbm:s6], $0xF7A  }
0x23: {  	s9 =	sor.u32 $0xD0000000, s2;
	s6 =	simm.s32 $0x108;
	_ =	swait.ge @!p0 [sflag:s8], $0x0  }
0x24: {  	s3 =	sadd.s32 $0x88, s3;
	s6 =	simm.s32 @!p1 $0x1082;
	[sflag:s4] =	ssyncset.s32 $0xFFFFF086  }
0x25: {  	[simem:s6], [sflag:s4] =	dma.local [hbm:s3], $0xF7A  }
0x26: {  	[smem:$0x3FA0] =	sst s1;
	(tag) =	ssettag s2;
	_ =	strace s9  }
0x27: {  	s1 =	sld [smem:$0x3FB0]  }
0x28: {  	s2 =	sld [smem:$0x3FB1]  }
0x29: {  	s4 =	sld [smem:$0x3FB3]  }
0x2a: {  	p0 =	seq.s32 s5, $0x0;
	s5 =	sld [smem:$0x3FB4]  }
0x2b: {  	s6 =	sld [smem:$0x3FB5]  }
0x2c: {  	s7 =	sld [smem:$0x3FB6]  }
0x2d: {  	s3 =	simm.s32 $0x108;
	s8 =	sld [smem:$0x3FB7]  }
0x2e: {  	s3 =	simm.s32 @!p0 $0x1082;
	s9 =	sld [smem:$0x3FB8]  }
0x2f: {  	lr =	sadd.s32 s0, s3;
	s0 =	sld [smem:$0x3FAF]  }
0x30: {  	s3 =	sld [smem:$0x3FB2]  }
0x31: {  	[smem:$0x3FBB] =	sst s10  }
0x32: {  	s10 =	sld [smem:$0x3FB9];
	_ =	sdelay $0x3  }
0x33: {  	p0 =	seq.s32 s10, $0x1;
	s10 =	sld [smem:$0x3FBB];
	_ =	sdelay $0x3  }
0x34: {  	[smem:$0x3FBB] =	sst s10  }
0x35: {  	s10 =	sld [smem:$0x3FBA];
	_ =	sdelay $0x3  }
0x36: {  	p1 =	seq.s32 s10, $0x1;
	s10 =	sld [smem:$0x3FBB];
	_ =	sdelay $0x3  }
0x37: {  	[smem:$0x3FBB] =	sst s10  }
0x38: {  	s10 =	sld [smem:$0x3FBC]  }
0x39: {  	_ = 	snop;
	(pc) =	sbr.ind lr, $3  }
0x3a: {  	_ = 	snop  }
0x3b: {  	_ = 	snop  }
0x3c: {  	p2 =	seq.s32 s10, $0x1;
	s10 =	sld [smem:$0x3FBB]  }
0x3d: {  	_ =	shalt  }
0x3e: {  	_ =	shalt  }
0x3f: {  	_ =	shalt  }
0x40: {  	_ =	shalt  }
0x41: {  	_ =	shalt  }
0x42: {  	_ =	shalt  }
0x43: {  	_ =	shalt  }
0x44: {  	_ =	shalt  }
0x45: {  	_ =	shalt  }
0x46: {  	_ =	shalt  }
0x47: {  	_ =	shalt  }
0x48: {  	_ =	shalt  }
0x49: {  	_ =	shalt  }
0x4a: {  	_ =	shalt  }
0x4b: {  	_ =	shalt  }
0x4c: {  	_ =	shalt  }
0x4d: {  	_ =	shalt  }
0x4e: {  	_ =	shalt  }
0x4f: {  	_ =	shalt  }
0x50: {  	_ =	shalt  }
0x51: {  	_ =	shalt  }
0x52: {  	_ =	shalt  }
0x53: {  	_ =	shalt  }
0x54: {  	_ =	shalt  }
0x55: {  	_ =	shalt  }
0x56: {  	_ =	shalt  }
0x57: {  	_ =	shalt  }
0x58: {  	_ =	shalt  }
0x59: {  	_ =	shalt  }
0x5a: {  	_ =	shalt  }
0x5b: {  	_ =	shalt  }
0x5c: {  	_ =	shalt  }
0x5d: {  	_ =	shalt  }
0x5e: {  	_ =	shalt  }
0x5f: {  	_ =	shalt  }
0x60: {  	_ =	shalt  }
0x61: {  	_ =	shalt  }
0x62: {  	_ =	shalt  }
0x63: {  	_ =	shalt  }
0x64: {  	_ =	shalt  }
0x65: {  	_ =	shalt  }
0x66: {  	_ =	shalt  }
0x67: {  	_ =	shalt  }
0x68: {  	_ =	shalt  }
0x69: {  	_ =	shalt  }
0x6a: {  	_ =	shalt  }
0x6b: {  	_ =	shalt  }
0x6c: {  	_ =	shalt  }
0x6d: {  	_ =	shalt  }
0x6e: {  	_ =	shalt  }
0x6f: {  	_ =	shalt  }
0x70: {  	_ =	shalt  }
0x71: {  	_ =	shalt  }
0x72: {  	_ =	shalt  }
0x73: {  	_ =	shalt  }
0x74: {  	_ =	shalt  }
0x75: {  	_ =	shalt  }
0x76: {  	_ =	shalt  }
0x77: {  	_ =	shalt  }
0x78: {  	_ =	shalt  }
0x79: {  	_ =	shalt  }
0x7a: {  	_ =	shalt  }
0x7b: {  	_ =	shalt  }
0x7c: {  	_ =	shalt  }
0x7d: {  	_ =	shalt  }
0x7e: {  	_ =	shalt  }
0x7f: {  	_ =	shalt  }
0x80: {  	_ =	shalt  }
0x81: {  	_ =	shalt  }
0x82: {  	_ =	shalt  }
0x83: {  	_ =	shalt  }
0x84: {  	_ =	shalt  }
0x85: {  	_ =	shalt  }
0x86: {  	_ =	shalt  }
0x87: {  	_ =	shalt  }
.Lfunc_end0:
.L_simem_size_0:
called_computation_lowered:
.L_overlay_start_0:
0x88: {  	s2 =	sld [smem:$0x3FD9]  }
0x89: {  	s3 =	sld [smem:$0x3FFE];
	_ =	sdelay $0x1  }
0x8a: {  	s1 =	srdreg.scid  }
0x8b: {  	s0 =	sand.u32 $0x1, s1  }
0x8c: {  	s18 =	sshll.u32 s0, $0xA;
	s2 =	sadd.s32 s3, s2  }
0x8d: {  	s2 =	sadd.s32 s2, s18  }
0x8e: {  	[smem:$0x3FC7] =	sst s2  }
0x8f: {  	_ = 	snop  }
0x90: {  	s2 =	sld [smem:$0x3FC9]  }
0x91: {  	s19 =	sld [smem:$0x3FD0];
	(tm) =	ssettm $0x1  }
0x92: {  	s4 =	sld [smem:$0x3FFB];
	_ =	sdelay $0x3  }
0x93: {  	_ =	strace s4  }
0x94: {  	s4 =	sld [smem:$0x3FFC];
	_ =	sdelay $0x3  }
0x95: {  	_ =	strace s4  }
0x96: {  	s4 =	sld [smem:$0x3FFD];
	_ =	sdelay $0x3  }
0x97: {  	_ =	strace s4  }
0x98: {  	_ =	strace $0x8FFFFFFF  }
0x99: {  	s20 =	sld [smem:$0x3FDB];
	_ =	sdelay $0x1  }
0x9a: {  	s5 =	simm.s32 $_scs_section_size  }
0x9b: {  	s6 =	simm.s32 $_size__tile_overlayer_lowered;
	s7 =	simm.s32 $_tile_overlayer_lowered  }
0x9c: {  	s23 =	simm.s32 $0x1BFF;
	s22 =	sshll.u32 s7, $0x1;
	s4 =	sadd.s32 s5, s20  }
0x9d: {  	s8 =	simm.s32 $0x0;
	s21 =	sshll.u32 s6, $0x1;
	s6 =	sadd.s32 s22, s4  }
0x9e: {  	[timem:s8], [sflag:s23] =	dma.local [hbm:s6], s21  }
0x9f: {  	_ =	swait.ge [sflag:s23], s21  }
0xa0: {  	s5 =	ssub.s32 $0x0, s21;
	[sflag:s23] =	ssyncset.done $0x0  }
0xa1: {  	[sflag:s23] =	ssyncadd.s32 s5;
	_ =	sdelay $0x1  }
0xa2: {  	s24 =	simm.s32 $0x1B8B  }
0xa3: {  	_ =	swait.ge [sflag:s24], $0x1  }
0xa4: {  	[sflag:s24] =	ssyncset.done $0x0  }
0xa5: {  	s25 =	simm.s32 $0x1B8E;
	[sflag:s24] =	ssyncadd.s32 $0xFFFFFFFF  }
0xa6: {  	s26 =	simm.s32 $execute0_lowered;
	[smem:$0x3FD2] =	sst s25  }
0xa7: {  	s5 =	sshll.u32 s26, $0x1;
	_ =	strace $0x80000046;
	[dreg:$0x1] =	wrdreg $0xFFFFFFFF  }
0xa8: {  	s28 =	simm.s32 $_size_execute0_lowered;
	s4 =	sadd.s32 s4, s5;
	[dreg:$0x0] =	wrdreg $0x0  }
0xa9: {  	s5 =	sshll.u32 s28, $0x1;
	[dreg:$0x2] =	wrdreg s4  }
0xaa: {  	[dreg:$0x3] =	wrdreg s5  }
0xab: {  	[dreg:$0x4] =	wrdreg $0xC0  }
0xac: {  	_ =	task [dreg:s8], $0x5FFFF  }
0xad: {  	[dreg:$0x1] =	wrdreg $0xFFFFFFFF  }
0xae: {  	[dreg:$0x0] =	wrdreg $0x60  }
0xaf: {  	[dreg:$0x2] =	wrdreg s2  }
0xb0: {  	[dreg:$0x3] =	wrdreg s19  }
0xb1: {  	[dreg:$0x4] =	wrdreg $0x2B000  }
0xb2: {  	[dreg:$0x5] =	wrdreg $0x9  }
0xb3: {  	_ =	task.clear_ibuf [dreg:s8], $0x6FFFF;
	_ =	strace $0x90000046  }
0xb4: {  	s29 =	simm.s32 $0x9;
	_ =	strace $0x80000048  }
0xb5: {  	_ =	swait.ge [sflag:s29], $0x1  }
0xb6: {  	[sflag:s29] =	ssyncadd.s32 $0xFFFFFFFF  }
0xb7: {  	_ =	strace $0x90000048  }
0xb8: {  	_ =	sfence  }
0xb9: {  	s30 =	sld [smem:$0x0];
	_ =	sdelay $0x2  }
0xba: {  	s31 =	sshll.u32 s1, $0xD;
	s1 =	sshrl.u32 s1, $0x2  }
0xbb: {  	s3 =	sand.u32 $0x4000, s31;
	s1 =	sadd.s32 s1, s30  }
0xbc: {  	s0 =	sor.u32 s3, s0;
	s1 =	sshll.u32 s1, $0x11  }
0xbd: {  	s0 =	sor.u32 s1, s0  }
0xbe: {  	s0 =	sadd.s32 $0x8F2B, s0  }
0xbf: {  	[sflag:s0] =	ssyncadd.remote.s32 $0x1  }
0xc0: {  	_ =	sfence.sel $0xFFFF  }
0xc1: {  	[dreg:$0x0] =	wrdreg $0xFFFFFFFF;
	(pc) =	sbr.abs _section_cstart, $3  }
0xc2: {  	[dreg:$0x1] =	wrdreg $0xFFFFFFFF  }
0xc3: {  	_ =	task.clear_ibuf [dreg:s8], $0x2FFFF;
	_ =	strace $0x9FFFFFFF  }
0xc4: {  	(tm) =	ssettm $0x7FFFFFFF  }
0xc5: {  	_ =	shalt  }
tec
execute0_lowered:
.L_overlay_start_1:
0x0: {  	(tag) =	ssettag $0x1  }
0x1: {  	s4 =	rddreg [dreg:$0x0]  }
0x2: {  	s6 =	rddreg [dreg:$0x1];
	s0 =	srdreg.scid  }
0x3: {  	s2 =	rddreg [dreg:$0x2];
	s1 =	stileid.u32;
	s3 =	simm.s32 $0x0  }
0x4: {  	s11 =	simm.s32 $0x2800;
	s12 =	simm.s32 $0x1;
	s13 =	simm.s32 $0x100  }
0x5: {  	s14 =	simm.s32 $0x2;
	s15 =	simm.s32 $0x180;
	s18 =	simm.s32 $0x0  }
0x6: {  	s5 =	sand.u32 $0x1, s0;
	s0 =	rddreg [dreg:$0x3];
	s7 =	smul.u32 $0x280, s1  }
0x7: {  	[smem:$0x7FF] =	sst s3;
	s16 =	sshll.u32 s1, $0x6;
	s8 =	sshll.u32 s5, $0x4  }
0x8: {  	s9 =	smul.u32 $0x2800, s5;
	s5 =	ssub.s32 $0x2, s5;
	_ =	strace $0x80000047  }
0x9: {  	s16 =	sor.u32 $0x1C03, s16;
	s8 =	sor.u32 s1, s8;
	s10 =	sshrl.u32 s5, $0x1  }
0xa: {  	s8 =	smul.u32 $0x500, s8;
	s9 =	sadd.s32 s7, s9;
	s10 =	ssub.s32 s5, s10  }
0xb: {  	s5 =	sadd.s32 s7, s2;
	s31 =	sshrl.u32 s9, $0x3;
	s7 =	smax.u32 s10, $0x1  }
0xc: {  	s9 =	simm.s32 $0x2880;
	s10 =	simm.s32 $0x80;
	s17 =	sshrl.u32 s5, $0x3  }
0xd: {  	v0 =	vimm.f32 $1.000000000e+00;
	v1 =	vimm.f32 $0.0e+00;
	s4 =	sadd.s32 s4, s8;
	s6 =	sadd.s32 s6, s31;
	s8 =	simm.s32 $0x3  }
.LBB2_1:
0xe: {  	[tilespmem:s3], [sflag:$0x3] =	stream.linear.gather [hbm4b:s4+s3], $0x2800, $0x38;
	[tilespmem:$0x2D80] =	vst v63  }
0xf: {  	_ =	swait.ge [sflag:s8], $0x2800  }
0x10: {  	[sflag:s8] =	ssyncset.done $0x0  }
0x11: {  	[sflag:s8] =	ssyncadd.s32 $0xFFFFD800  }
0x12: {  	[tilespmem:$0x2800] =	vst v0  }
0x13: {  	[tilespmem:$0x2810] =	vst v0  }
0x14: {  	[tilespmem:$0x2820] =	vst v0  }
0x15: {  	[tilespmem:$0x2830] =	vst v0  }
0x16: {  	[tilespmem:$0x2840] =	vst v0  }
0x17: {  	[tilespmem:$0x2850] =	vst v0  }
0x18: {  	[tilespmem:$0x2860] =	vst v0  }
0x19: {  	[tilespmem:$0x2870] =	vst v0  }
0x1a: {  	[tilespmem:$0x2880] =	vst v1  }
0x1b: {  	[tilespmem:$0x2890] =	vst v1  }
0x1c: {  	[tilespmem:$0x28A0] =	vst v1  }
0x1d: {  	[tilespmem:$0x28B0] =	vst v1  }
0x1e: {  	[tilespmem:$0x28C0] =	vst v1  }
0x1f: {  	[tilespmem:$0x28D0] =	vst v1  }
0x20: {  	[tilespmem:$0x28E0] =	vst v1  }
0x21: {  	[tilespmem:$0x28F0] =	vst v1  }
0x22: {  	[tilespmem:$0x2900] =	vst v1  }
0x23: {  	[tilespmem:$0x2910] =	vst v1  }
0x24: {  	[tilespmem:$0x2920] =	vst v1  }
0x25: {  	[tilespmem:$0x2930] =	vst v1  }
0x26: {  	[tilespmem:$0x2940] =	vst v1  }
0x27: {  	[tilespmem:$0x2950] =	vst v1  }
0x28: {  	[tilespmem:$0x2960] =	vst v1  }
0x29: {  	[tilespmem:$0x2970] =	vst v1  }
0x2a: {  	[tilespmem:$0x2980] =	vst v1  }
0x2b: {  	[tilespmem:$0x2990] =	vst v1  }
0x2c: {  	[tilespmem:$0x29A0] =	vst v1  }
0x2d: {  	[tilespmem:$0x29B0] =	vst v1  }
0x2e: {  	[tilespmem:$0x29C0] =	vst v1  }
0x2f: {  	[tilespmem:$0x29D0] =	vst v1  }
0x30: {  	[tilespmem:$0x29E0] =	vst v1  }
0x31: {  	[tilespmem:$0x29F0] =	vst v1  }
0x32: {  	[tilespmem:$0x2A00] =	vst v1  }
0x33: {  	[tilespmem:$0x2A10] =	vst v1  }
0x34: {  	[tilespmem:$0x2A20] =	vst v1  }
0x35: {  	[tilespmem:$0x2A30] =	vst v1  }
0x36: {  	[tilespmem:$0x2A40] =	vst v1  }
0x37: {  	[tilespmem:$0x2A50] =	vst v1  }
0x38: {  	[tilespmem:$0x2A60] =	vst v1  }
0x39: {  	[tilespmem:$0x2A70] =	vst v1  }
0x3a: {  	[tilespmem:$0x2A80] =	vst v1  }
0x3b: {  	[tilespmem:$0x2A90] =	vst v1  }
0x3c: {  	[tilespmem:$0x2AA0] =	vst v1  }
0x3d: {  	[tilespmem:$0x2AB0] =	vst v1  }
0x3e: {  	[tilespmem:$0x2AC0] =	vst v1  }
0x3f: {  	[tilespmem:$0x2AD0] =	vst v1  }
0x40: {  	[tilespmem:$0x2AE0] =	vst v1  }
0x41: {  	[tilespmem:$0x2AF0] =	vst v1  }
0x42: {  	[spmem:s5] =	stream.linear.scatter [tilespmem:s9], [sflag:$0x3], $0x280, $0x38;
	[tilespmem:$0x2D80] =	vst v63  }
0x43: {  	_ =	swait.ge [sflag:s8], $0x280  }
0x44: {  	[sflag:s8] =	ssyncset.done $0x0  }
0x45: {  	[sflag:s8] =	ssyncadd.s32 $0xFFFFFD80  }
0x46: {  	[bflag:$0x0] =	sbarrier.arrive $0xFFFF  }
0x47: {  	[spmem:s2] =	stream.indirect.scatter.add.f32 [tilespmem:s11], [sflag:$0x1], $0x1, s3, s10, $0xb8;
	[tilespmem:$0x2D80] =	vst v63  }
0x48: {  	_ = 	snop  }
0x49: {  	[spmem:s2] =	stream.indirect.scatter.add.f32 [tilespmem:s11], [sflag:$0x2], $0x1, s10, s10, $0xb8;
	[tilespmem:$0x2D80] =	vst v63  }
0x4a: {  	_ =	swait.ge [sflag:s12], $0x80  }
0x4b: {  	[sflag:s12] =	ssyncset.done $0x0  }
0x4c: {  	[sflag:s12] =	ssyncadd.s32 $0xFFFFFF80  }
0x4d: {  	[spmem:s2] =	stream.indirect.scatter.add.f32 [tilespmem:s11], [sflag:$0x1], $0x1, s13, s10, $0xb8;
	[tilespmem:$0x2D80] =	vst v63  }
0x4e: {  	_ =	swait.ge [sflag:s14], $0x80  }
0x4f: {  	[sflag:s14] =	ssyncset.done $0x0  }
0x50: {  	[sflag:s14] =	ssyncadd.s32 $0xFFFFFF80  }
0x51: {  	[spmem:s2] =	stream.indirect.scatter.add.f32 [tilespmem:s11], [sflag:$0x2], $0x1, s15, s10, $0xb8;
	[tilespmem:$0x2D80] =	vst v63  }
0x52: {  	_ =	swait.ge [sflag:s12], $0x80  }
0x53: {  	[sflag:s12] =	ssyncset.done $0x0  }
0x54: {  	s19 =	simm.s32 $0x200;
	[sflag:s12] =	ssyncadd.s32 $0xFFFFFF80  }
0x55: {  	[spmem:s2] =	stream.indirect.scatter.add.f32 [tilespmem:s11], [sflag:$0x1], $0x1, s19, s10, $0xb8;
	[tilespmem:$0x2D80] =	vst v63  }
0x56: {  	_ =	swait.ge [sflag:s14], $0x80  }
0x57: {  	[sflag:s14] =	ssyncset.done $0x0  }
0x58: {  	s31 =	simm.s32 $0x280;
	[sflag:s14] =	ssyncadd.s32 $0xFFFFFF80  }
0x59: {  	[spmem:s2] =	stream.indirect.scatter.add.f32 [tilespmem:s11], [sflag:$0x2], $0x1, s31, s10, $0xb8;
	[tilespmem:$0x2D80] =	vst v63  }
0x5a: {  	_ =	swait.ge [sflag:s12], $0x80  }
0x5b: {  	s20 =	simm.s32 $0xFFFF7000;
	s19 =	simm.s32 $0xFFFFDB00;
	[sflag:s12] =	ssyncset.done $0x0  }
.LBB2_2:
0x5c: {  	s21 =	sadd.s32 $0x2800, s19  }
0x5d: {  	[sflag:s12] =	ssyncadd.s32 $0xFFFFFF80;
	s22 =	smov.u32 s20;
	s23 =	sadd.s32 $0x400, s20  }
0x5e: {  	[spmem:s2] =	stream.indirect.scatter.add.f32 [tilespmem:s11], [sflag:$0x1], $0x1, s21, s10, $0xb8;
	[tilespmem:$0x2D80] =	vst v63  }
0x5f: {  	p0 =	sne.s32 s20, $0xFFFFFC00;
	_ =	swait.ge [sflag:s14], $0x80  }
.Ltmp0:
0x60: {  	[sflag:s14] =	ssyncset.done $0x0;
	(pc) =	sbr.rel @p0 .LBB2_2-.Ltmp0, $4  }
0x61: {  	s19 =	sadd.s32 $0x2880, s19;
	[sflag:s14] =	ssyncadd.s32 $0xFFFFFF80  }
0x62: {  	[spmem:s2] =	stream.indirect.scatter.add.f32 [tilespmem:s11], [sflag:$0x2], $0x1, s19, s10, $0xb8;
	[tilespmem:$0x2D80] =	vst v63  }
0x63: {  	_ =	swait.ge [sflag:s12], $0x80  }
0x64: {  	s20 =	smov.u32 s23;
	s19 =	sshra.s32 s22, $0x2;
	[sflag:s12] =	ssyncset.done $0x0  }
0x65: {  	s20 =	sadd.s32 $0x2800, s19;
	[sflag:s12] =	ssyncadd.s32 $0xFFFFFF80  }
0x66: {  	[spmem:s2] =	stream.indirect.scatter.add.f32 [tilespmem:s11], [sflag:$0x1], $0x1, s20, s10, $0xb8;
	[tilespmem:$0x2D80] =	vst v63  }
0x67: {  	_ =	swait.ge [sflag:s14], $0x80  }
0x68: {  	[sflag:s14] =	ssyncset.done $0x0  }
0x69: {  	s31 =	sadd.s32 $0x2880, s19;
	[sflag:s14] =	ssyncadd.s32 $0xFFFFFF80  }
0x6a: {  	[spmem:s2] =	stream.indirect.scatter.add.f32 [tilespmem:s11], [sflag:$0x2], $0x1, s31, s10, $0xb8;
	[tilespmem:$0x2D80] =	vst v63  }
0x6b: {  	_ =	swait.ge [sflag:s12], $0x80  }
0x6c: {  	[sflag:s12] =	ssyncset.done $0x0  }
0x6d: {  	[sflag:s12] =	ssyncadd.s32 $0xFFFFFF80  }
0x6e: {  	_ =	swait.ge [sflag:s14], $0x80  }
0x6f: {  	s18 =	sadd.s32 $0x1, s18;
	[sflag:s14] =	ssyncset.done $0x0  }
0x70: {  	p0 =	sne.s32 s18, s7;
	[sflag:s14] =	ssyncadd.s32 $0xFFFFFF80  }
.Ltmp1:
0x71: {  	[bflag:$0x0] =	sbarrier.arrive $0xFFFF;
	(pc) =	sbr.rel @p0 .LBB2_1-.Ltmp1, $4  }
0x72: {  	[hbm:s6], [sflag:s16] =	dma.local [spmem:s17], $0x50  }
0x73: {  	_ =	swait.ge [sflag:s8], $0x50  }
0x74: {  	[sflag:s8] =	ssyncset.done $0x0  }
0x75: {  	[sflag:s8] =	ssyncadd.s32 $0xFFFFFFB0  }
0x76: {  	_ =	sfence.sel $0x180000  }
0x77: {  	[bflag:$0x0] =	sbarrier.arrive $0xFFFF  }
0x78: {  	p0 =	sne.s32 s1, $0x0;
	_ =	strace $0x90000047  }
0x79: {  	s0 =	sadd.s32 @!p0 $0x100000, s0;
	[bflag:$0x2] =	sbarrier.arrive $0xFFFF  }
0x7a: {  	[sflag:s0] =	ssyncadd.tile.s32 @!p0 $0x1;
	_ =	shalt  }
.Lfunc_end2:
_tile_overlayer_lowered:
.L_overlay_start_2:
0x7b: {  	(tag) =	ssettag $0x2  }
0x7c: {  	s0 =	rddreg [dreg:$0x0];
	s2 =	stileid.u32  }
0x7d: {  	s1 =	rddreg [dreg:$0x1];
	p0 =	sne.s32 s2, $0x0  }
0x7e: {  	s3 =	rddreg [dreg:$0x2];
	[bflag:$0x3] =	sbarrier.arrive $0xFFFF;
	s2 =	simm.s32 @!p0 $0x1C03  }
0x7f: {  	[timem:s3], [sflag:s2] =	dma.local @!p0 [hbm:s0], s1  }
0x80: {  	s0 =	simm.s32 @!p0 $0x3  }
0x81: {  	_ =	swait.ge @!p0 [sflag:s0], s1  }
0x82: {  	s1 =	ssub.s32 @!p0 $0x0, s1;
	[sflag:s0] =	ssyncset.done @!p0 $0x0  }
0x83: {  	[sflag:s0] =	ssyncadd.s32 @!p0 s1  }
0x84: {  	[bflag:$0x3] =	sbarrier.arrive $0xFFFF  }
0x85: {  	_ =	shalt  }

</sc_bundles>
